<compile_context>
chip_gen: v7x
topology: tpu7x:2x2x1
jax: 0.10.2.dev20260603
libtpu: 0.0.44.dev20260713+nightly
codegen_flags: <defaults>
</compile_context>

<pallas_src>
import jax
import jax.numpy as jnp
from jax import lax
from jax.experimental import pallas as pl
from jax.experimental.pallas import tpu as pltpu
from jax.experimental.pallas import tpu_sc as plsc

_MOLECS = 500
_ATOMS = 100
_PAIRS = 1600000
_NCORES = 2
_NW = 16 * _NCORES
_BLOCKS = _PAIRS // 128
_WBLOCKS = _BLOCKS // _NW
_CHUNK = _WBLOCKS * 128
_TAILS = _BLOCKS - _NW * _WBLOCKS
_TAIL_BASE = _NW * _CHUNK
_BINS = 512
_UNROLL = 8
_CHUNK_BLOCKS = (195, 195)
_MAGIC = 83887
_SHIFT = 23


def _sc_body(idx_hbm, out_hbm, buf0, buf1, tail_v, acc_v, sem0, sem1):
    bufs = (buf0, buf1)
    sems = (sem0, sem1)
    wid = lax.axis_index("s") * _NCORES + lax.axis_index("c")
    base = wid * _CHUNK

    zeros16 = jnp.zeros((16,), jnp.float32)

    def zero_body(j, carry):
        acc_v[pl.ds(j * 16, 16)] = zeros16
        return carry

    lax.fori_loop(0, _BINS // 16, zero_body, 0)

    copies = []
    off = base
    for k, nb in enumerate(_CHUNK_BLOCKS):
        copies.append(pltpu.async_copy(
            idx_hbm.at[:, pl.ds(off, nb * 128)], bufs[k], sems[k]))
        off += nb * 128

    def scatter_range(buf_v, n_vec, unroll):
        @plsc.parallel_loop(0, n_vec, 1, unroll=unroll)
        def pair_body(i):
            idx = buf_v[0, pl.ds(i * 16, 16)]
            pair_e = jnp.zeros((16,), jnp.float32) * jnp.ones((16,), jnp.float32)
            mol = ((idx.astype(jnp.uint32) * _MAGIC) >> _SHIFT).astype(jnp.int32)
            plsc.addupdate_scatter(acc_v, [mol], pair_e)

    for k, nb in enumerate(_CHUNK_BLOCKS):
        copies[k].wait()
        scatter_range(bufs[k], nb * 8, _UNROLL)

    @pl.when(wid < _TAILS)
    def _tail():
        pltpu.sync_copy(
            idx_hbm.at[:, pl.ds(_TAIL_BASE + wid * 128, 128)], tail_v)
        scatter_range(tail_v, 128 // 16, 8)

    pltpu.sync_copy(acc_v, out_hbm.at[wid])


def _combine_body(p_ref, o_ref):
    o_ref[...] = jnp.sum(p_ref[...], axis=0)[:_MOLECS]


def kernel(elem_idxs, indices, distances):
    molecs_num, atoms_num = elem_idxs.shape

    partials = pl.kernel(
        _sc_body,
        out_type=jax.ShapeDtypeStruct((_NW, _BINS), jnp.float32),
        mesh=plsc.VectorSubcoreMesh(
            core_axis_name="c", subcore_axis_name="s", num_cores=_NCORES),
        compiler_params=pltpu.CompilerParams(needs_layout_passes=False),
        scratch_types=[
            pltpu.VMEM((2, _CHUNK_BLOCKS[0] * 128), jnp.int32),
            pltpu.VMEM((2, _CHUNK_BLOCKS[1] * 128), jnp.int32),
            pltpu.VMEM((2, 128), jnp.int32),
            pltpu.VMEM((_BINS,), jnp.float32),
            pltpu.SemaphoreType.DMA,
            pltpu.SemaphoreType.DMA,
        ],
    )(indices)

    energies = pl.pallas_call(
        _combine_body,
        out_shape=jax.ShapeDtypeStruct((_MOLECS,), jnp.float32),
    )(partials)
    return energies.astype(distances.dtype)

# --- scband reference (transcript-rebuilt; emitter-appended) ---
"""Pipeline reference for scband-pair-potential-89343909692005 (READ-ONLY COPY).

The authoritative reference and input builder live on the scoring server;
editing this copy changes nothing except your own understanding.
"""

import jax, jax.numpy as jnp
import numpy as np

MOLECS = 500
ATOMS = 100
PAIRS = 1600000
N_SPECIES = 4  # ["H","C","N","O"]
CUTOFF = 5.0

def setup_inputs(seed: int = 0) -> dict:
    key = jax.random.key(seed)
    k1, k2, k3 = jax.random.split(key, 3)
    elem_idxs = jax.random.randint(k1, (MOLECS, ATOMS), 0, N_SPECIES, dtype=jnp.int64 if jax.config.jax_enable_x64 else jnp.int32)
    indices = jax.random.randint(k2, (2, PAIRS), 0, MOLECS * ATOMS, dtype=jnp.int64 if jax.config.jax_enable_x64 else jnp.int32)
    distances = jax.random.uniform(k3, (PAIRS,), dtype=jnp.float32)
    return {"elem_idxs": elem_idxs, "indices": indices, "distances": distances}

def _dummy_cutoff_fn(distances, cutoff):
    # 'dummy' cutoff function: no envelope, returns ones
    return jnp.ones_like(distances)

def _pair_energies(elem_idxs, indices, distances):
    # Base PairPotential.pair_energies returns zeros_like(distances)
    return jnp.zeros_like(distances)

def reference(elem_idxs, indices, distances):
    molecs_num, atoms_num = elem_idxs.shape
    # _pair_energies_wrapper (no ghost_flags)
    pair_energies = _pair_energies(elem_idxs, indices, distances)
    pair_energies = pair_energies * _dummy_cutoff_fn(distances, CUTOFF)
    # forward with atomic=False: scatter-add per molecule
    molecs_idxs = indices[0] // atoms_num
    energies = jnp.zeros((molecs_num,), dtype=distances.dtype)
    energies = energies.at[molecs_idxs].add(pair_energies)
    return energies

if __name__ == "__main__":
    import jax
    _d = setup_inputs()
    print(jax.jit(kernel)(*tuple(_d.values())))

</pallas_src>

<mosaic_0001>
#map = affine_map<(d0, d1) -> (0, 0)>
module attributes {stable_mosaic.version = 14 : i64} {
  func.func @_sc_body(%arg0: i32, %arg1: i32, %arg2: memref<2x1600000xi32, #tpu.memory_space<hbm>>, %arg3: memref<32x512xf32, #tpu.memory_space<hbm>>, %arg4: memref<2x24960xi32, #tpu.memory_space<vmem>>, %arg5: memref<2x24960xi32, #tpu.memory_space<vmem>>, %arg6: memref<2x128xi32, #tpu.memory_space<vmem>>, %arg7: memref<512xf32, #tpu.memory_space<vmem>>, %arg8: memref<!tpu.dma_semaphore, #tpu.memory_space<semaphore_mem>>, %arg9: memref<!tpu.dma_semaphore, #tpu.memory_space<semaphore_mem>>) attributes {dimension_semantics = [#tpu.dimension_semantics<core_parallel>, #tpu.dimension_semantics<subcore_parallel>], iteration_bounds = array<i64: 2, 16>, scalar_prefetch = 0 : i64, scratch_operands = 6 : i64, tpu.core_type = #tpu.core_type<sc_vector_subcore>, window_params = [{transform_indices = #map}, {transform_indices = #map}]} {
    %mul3A = arith.constant 2 : i32
    %mul3A_0 = arith.muli %arg1, %mul3A : i32
    %add3A = arith.addi %mul3A_0, %arg0 : i32
    %mul3A_1 = arith.constant 49920 : i32
    %mul3A_2 = arith.muli %add3A, %mul3A_1 : i32
    %broadcast_in_dim3A = arith.constant 0.000000e+00 : f32
    %broadcast_in_dim3A_3 = vector.broadcast %broadcast_in_dim3A : f32 to vector<16xf32>
    %scan3A = arith.constant 0 : i32
    %scan3A_4 = arith.constant 0 : i32
    %scan3A_5 = arith.constant 32 : i32
    %scan3A_6 = arith.addi %scan3A_4, %scan3A_5 : i32
    %scan3A_7 = arith.constant 1 : i32
    scf.for %scan3A_34 = %scan3A_4 to %scan3A_6 step %scan3A_7  : i32 {
      %mul3A_35 = arith.constant 16 : i32
      %mul3A_36 = arith.muli %scan3A_34, %mul3A_35 : i32
      %swap3A = arith.index_cast %mul3A_36 : i32 to index
      %swap3A_37 = tpu.vector_load %arg7[%swap3A] {strides = array<i32>} : memref<512xf32, #tpu.memory_space<vmem>>, vector<16xf32>,
      tpu.vector_store %arg7[%swap3A], %broadcast_in_dim3A_3 {strides = array<i32>} : memref<512xf32, #tpu.memory_space<vmem>>, vector<16xf32>,
    }
    %scan3A_8 = arith.constant 32 : i32
    %dma_start3A = arith.constant 0 : i32
    %dma_start3A_9 = tpu.memref_slice %arg2[%dma_start3A, %mul3A_2] : memref<2x1600000xi32, #tpu.memory_space<hbm>> -> memref<2x24960xi32, #tpu.memory_space<hbm>>
    %dma_start3A_10 = arith.constant 0 : i32
    %dma_start3A_11 = tpu.memref_slice %arg2[%dma_start3A_10, %mul3A_2] : memref<2x1600000xi32, #tpu.memory_space<hbm>> -> memref<2x24960xi32, #tpu.memory_space<hbm>>
    tpu.enqueue_dma source(%dma_start3A_11 : memref<2x24960xi32, #tpu.memory_space<hbm>>) target(%arg4 : memref<2x24960xi32, #tpu.memory_space<vmem>>) target_semaphore(%arg8 : memref<!tpu.dma_semaphore, #tpu.memory_space<semaphore_mem>>)
    %add3A_12 = arith.constant 24960 : i32
    %add3A_13 = arith.addi %mul3A_2, %add3A_12 : i32
    %dma_start3A_14 = arith.constant 0 : i32
    %dma_start3A_15 = tpu.memref_slice %arg2[%dma_start3A_14, %add3A_13] : memref<2x1600000xi32, #tpu.memory_space<hbm>> -> memref<2x24960xi32, #tpu.memory_space<hbm>>
    %dma_start3A_16 = arith.constant 0 : i32
    %dma_start3A_17 = tpu.memref_slice %arg2[%dma_start3A_16, %add3A_13] : memref<2x1600000xi32, #tpu.memory_space<hbm>> -> memref<2x24960xi32, #tpu.memory_space<hbm>>
    tpu.enqueue_dma source(%dma_start3A_17 : memref<2x24960xi32, #tpu.memory_space<hbm>>) target(%arg5 : memref<2x24960xi32, #tpu.memory_space<vmem>>) target_semaphore(%arg9 : memref<!tpu.dma_semaphore, #tpu.memory_space<semaphore_mem>>)
    %add3A_18 = arith.constant 24960 : i32
    %add3A_19 = arith.addi %add3A_13, %add3A_18 : i32
    %dma_wait3A = arith.constant 0 : i32
    %dma_wait3A_20 = tpu.memref_slice %arg2[%dma_wait3A, %mul3A_2] : memref<2x1600000xi32, #tpu.memory_space<hbm>> -> memref<2x24960xi32, #tpu.memory_space<hbm>>
    %dma_wait3A_21 = arith.constant 0 : i32
    %dma_wait3A_22 = tpu.memref_slice %arg2[%dma_wait3A_21, %mul3A_2] : memref<2x1600000xi32, #tpu.memory_space<hbm>> -> memref<2x24960xi32, #tpu.memory_space<hbm>>
    tpu.wait_dma2 semaphore(%arg8 : memref<!tpu.dma_semaphore, #tpu.memory_space<semaphore_mem>>) src(%dma_wait3A_22 : memref<2x24960xi32, #tpu.memory_space<hbm>>) dst(%arg4 : memref<2x24960xi32, #tpu.memory_space<vmem>>)
    %parallel_loop3A = arith.constant 0 : i32
    %parallel_loop3A_23 = arith.constant 1560 : i32
    %parallel_loop3A_24 = arith.constant 1 : i32
    scf.for %parallel_loop3A_34 = %parallel_loop3A to %parallel_loop3A_23 step %parallel_loop3A_24  : i32 {
      %parallel_loop3A_35 = arith.constant 16 : i32
      %parallel_loop3A_36 = arith.muli %parallel_loop3A_34, %parallel_loop3A_35 : i32
      %parallel_loop3A_37 = arith.constant 0 : i32
      %parallel_loop3A_38 = arith.index_cast %parallel_loop3A_37 : i32 to index
      %parallel_loop3A_39 = arith.index_cast %parallel_loop3A_36 : i32 to index
      %parallel_loop3A_40 = tpu.vector_load %arg4[%parallel_loop3A_38, %parallel_loop3A_39] {strides = array<i32>} : memref<2x24960xi32, #tpu.memory_space<vmem>>, vector<16xi32>,
      %parallel_loop3A_41 = arith.constant 0.000000e+00 : f32
      %parallel_loop3A_42 = vector.broadcast %parallel_loop3A_41 : f32 to vector<16xf32>
      %parallel_loop3A_43 = arith.constant 1.000000e+00 : f32
      %parallel_loop3A_44 = vector.broadcast %parallel_loop3A_43 : f32 to vector<16xf32>
      %parallel_loop3A_45 = arith.mulf %parallel_loop3A_42, %parallel_loop3A_44 : vector<16xf32>
      %parallel_loop3A_46 = arith.constant 83887 : i32
      %parallel_loop3A_47 = vector.broadcast %parallel_loop3A_46 : i32 to vector<16xi32>
      %parallel_loop3A_48 = arith.muli %parallel_loop3A_40, %parallel_loop3A_47 : vector<16xi32>
      %parallel_loop3A_49 = arith.constant 23 : i32
      %parallel_loop3A_50 = vector.broadcast %parallel_loop3A_49 : i32 to vector<16xi32>
      %parallel_loop3A_51 = arith.shrui %parallel_loop3A_48, %parallel_loop3A_50 : vector<16xi32>
      tpu.vector_store_idx %arg7[%parallel_loop3A_51], %parallel_loop3A_45 {add = true} : memref<512xf32, #tpu.memory_space<vmem>>[vector<16xi32>], vector<16xf32>,
    } {sc.loop_unroll_factor = 8 : i64, sc.parallel_access}
    %dma_wait3A_25 = arith.constant 0 : i32
    %dma_wait3A_26 = tpu.memref_slice %arg2[%dma_wait3A_25, %add3A_13] : memref<2x1600000xi32, #tpu.memory_space<hbm>> -> memref<2x24960xi32, #tpu.memory_space<hbm>>
    %dma_wait3A_27 = arith.constant 0 : i32
    %dma_wait3A_28 = tpu.memref_slice %arg2[%dma_wait3A_27, %add3A_13] : memref<2x1600000xi32, #tpu.memory_space<hbm>> -> memref<2x24960xi32, #tpu.memory_space<hbm>>
    tpu.wait_dma2 semaphore(%arg9 : memref<!tpu.dma_semaphore, #tpu.memory_space<semaphore_mem>>) src(%dma_wait3A_28 : memref<2x24960xi32, #tpu.memory_space<hbm>>) dst(%arg5 : memref<2x24960xi32, #tpu.memory_space<vmem>>)
    %parallel_loop3A_29 = arith.constant 0 : i32
    %parallel_loop3A_30 = arith.constant 1560 : i32
    %parallel_loop3A_31 = arith.constant 1 : i32
    scf.for %parallel_loop3A_34 = %parallel_loop3A_29 to %parallel_loop3A_30 step %parallel_loop3A_31  : i32 {
      %parallel_loop3A_35 = arith.constant 16 : i32
      %parallel_loop3A_36 = arith.muli %parallel_loop3A_34, %parallel_loop3A_35 : i32
      %parallel_loop3A_37 = arith.constant 0 : i32
      %parallel_loop3A_38 = arith.index_cast %parallel_loop3A_37 : i32 to index
      %parallel_loop3A_39 = arith.index_cast %parallel_loop3A_36 : i32 to index
      %parallel_loop3A_40 = tpu.vector_load %arg5[%parallel_loop3A_38, %parallel_loop3A_39] {strides = array<i32>} : memref<2x24960xi32, #tpu.memory_space<vmem>>, vector<16xi32>,
      %parallel_loop3A_41 = arith.constant 0.000000e+00 : f32
      %parallel_loop3A_42 = vector.broadcast %parallel_loop3A_41 : f32 to vector<16xf32>
      %parallel_loop3A_43 = arith.constant 1.000000e+00 : f32
      %parallel_loop3A_44 = vector.broadcast %parallel_loop3A_43 : f32 to vector<16xf32>
      %parallel_loop3A_45 = arith.mulf %parallel_loop3A_42, %parallel_loop3A_44 : vector<16xf32>
      %parallel_loop3A_46 = arith.constant 83887 : i32
      %parallel_loop3A_47 = vector.broadcast %parallel_loop3A_46 : i32 to vector<16xi32>
      %parallel_loop3A_48 = arith.muli %parallel_loop3A_40, %parallel_loop3A_47 : vector<16xi32>
      %parallel_loop3A_49 = arith.constant 23 : i32
      %parallel_loop3A_50 = vector.broadcast %parallel_loop3A_49 : i32 to vector<16xi32>
      %parallel_loop3A_51 = arith.shrui %parallel_loop3A_48, %parallel_loop3A_50 : vector<16xi32>
      tpu.vector_store_idx %arg7[%parallel_loop3A_51], %parallel_loop3A_45 {add = true} : memref<512xf32, #tpu.memory_space<vmem>>[vector<16xi32>], vector<16xf32>,
    } {sc.loop_unroll_factor = 8 : i64, sc.parallel_access}
    %lt3A = arith.constant 20 : i32
    %lt3A_32 = arith.cmpi slt, %add3A, %lt3A : i32
    %convert_element_type3A = arith.extui %lt3A_32 : i1 to i32
    %cond3A = arith.constant 0 : i32
    %cond3A_33 = arith.cmpi ne, %convert_element_type3A, %cond3A : i32
    scf.if %cond3A_33 {
      %mul3A_34 = arith.constant 128 : i32
      %mul3A_35 = arith.muli %add3A, %mul3A_34 : i32
      %add3A_36 = arith.constant 1597440 : i32
      %add3A_37 = arith.addi %add3A_36, %mul3A_35 : i32
      "tpu.region"() ({
        %run_scoped3A = tpu.sem_alloc : memref<!tpu.dma_semaphore, #tpu.memory_space<semaphore_mem>>
        %dma_start3A_41 = arith.constant 0 : i32
        %dma_start3A_42 = tpu.memref_slice %arg2[%dma_start3A_41, %add3A_37] : memref<2x1600000xi32, #tpu.memory_space<hbm>> -> memref<2x128xi32, #tpu.memory_space<hbm>>
        %dma_start3A_43 = arith.constant 0 : i32
        %dma_start3A_44 = tpu.memref_slice %arg2[%dma_start3A_43, %add3A_37] : memref<2x1600000xi32, #tpu.memory_space<hbm>> -> memref<2x128xi32, #tpu.memory_space<hbm>>
        tpu.enqueue_dma source(%dma_start3A_44 : memref<2x128xi32, #tpu.memory_space<hbm>>) target(%arg6 : memref<2x128xi32, #tpu.memory_space<vmem>>) target_semaphore(%run_scoped3A : memref<!tpu.dma_semaphore, #tpu.memory_space<semaphore_mem>>)
        %dma_wait3A_45 = arith.constant 0 : i32
        %dma_wait3A_46 = tpu.memref_slice %arg2[%dma_wait3A_45, %add3A_37] : memref<2x1600000xi32, #tpu.memory_space<hbm>> -> memref<2x128xi32, #tpu.memory_space<hbm>>
        %dma_wait3A_47 = arith.constant 0 : i32
        %dma_wait3A_48 = tpu.memref_slice %arg2[%dma_wait3A_47, %add3A_37] : memref<2x1600000xi32, #tpu.memory_space<hbm>> -> memref<2x128xi32, #tpu.memory_space<hbm>>
        tpu.wait_dma2 semaphore(%run_scoped3A : memref<!tpu.dma_semaphore, #tpu.memory_space<semaphore_mem>>) src(%dma_wait3A_48 : memref<2x128xi32, #tpu.memory_space<hbm>>) dst(%arg6 : memref<2x128xi32, #tpu.memory_space<vmem>>)
        tpu.yield
      }) : () -> ()
      %parallel_loop3A_38 = arith.constant 0 : i32
      %parallel_loop3A_39 = arith.constant 8 : i32
      %parallel_loop3A_40 = arith.constant 1 : i32
      scf.for %parallel_loop3A_41 = %parallel_loop3A_38 to %parallel_loop3A_39 step %parallel_loop3A_40  : i32 {
        %parallel_loop3A_42 = arith.constant 16 : i32
        %parallel_loop3A_43 = arith.muli %parallel_loop3A_41, %parallel_loop3A_42 : i32
        %parallel_loop3A_44 = arith.constant 0 : i32
        %parallel_loop3A_45 = arith.index_cast %parallel_loop3A_44 : i32 to index
        %parallel_loop3A_46 = arith.index_cast %parallel_loop3A_43 : i32 to index
        %parallel_loop3A_47 = tpu.vector_load %arg6[%parallel_loop3A_45, %parallel_loop3A_46] {strides = array<i32>} : memref<2x128xi32, #tpu.memory_space<vmem>>, vector<16xi32>,
        %parallel_loop3A_48 = arith.constant 0.000000e+00 : f32
        %parallel_loop3A_49 = vector.broadcast %parallel_loop3A_48 : f32 to vector<16xf32>
        %parallel_loop3A_50 = arith.constant 1.000000e+00 : f32
        %parallel_loop3A_51 = vector.broadcast %parallel_loop3A_50 : f32 to vector<16xf32>
        %parallel_loop3A_52 = arith.mulf %parallel_loop3A_49, %parallel_loop3A_51 : vector<16xf32>
        %parallel_loop3A_53 = arith.constant 83887 : i32
        %parallel_loop3A_54 = vector.broadcast %parallel_loop3A_53 : i32 to vector<16xi32>
        %parallel_loop3A_55 = arith.muli %parallel_loop3A_47, %parallel_loop3A_54 : vector<16xi32>
        %parallel_loop3A_56 = arith.constant 23 : i32
        %parallel_loop3A_57 = vector.broadcast %parallel_loop3A_56 : i32 to vector<16xi32>
        %parallel_loop3A_58 = arith.shrui %parallel_loop3A_55, %parallel_loop3A_57 : vector<16xi32>
        tpu.vector_store_idx %arg7[%parallel_loop3A_58], %parallel_loop3A_52 {add = true} : memref<512xf32, #tpu.memory_space<vmem>>[vector<16xi32>], vector<16xf32>,
      } {sc.loop_unroll_factor = 8 : i64, sc.parallel_access}
    } else {
    }
    "tpu.region"() ({
      %run_scoped3A = tpu.sem_alloc : memref<!tpu.dma_semaphore, #tpu.memory_space<semaphore_mem>>
      %dma_start3A_34 = arith.constant 0 : i32
      %dma_start3A_35 = tpu.memref_slice %arg3[%add3A, %dma_start3A_34] : memref<32x512xf32, #tpu.memory_space<hbm>> -> memref<1x512xf32, #tpu.memory_space<hbm>>
      %dma_start3A_36 = tpu.memref_squeeze %dma_start3A_35 : memref<1x512xf32, #tpu.memory_space<hbm>> -> memref<512xf32, #tpu.memory_space<hbm>>
      %dma_start3A_37 = arith.constant 0 : i32
      %dma_start3A_38 = tpu.memref_slice %arg3[%add3A, %dma_start3A_37] : memref<32x512xf32, #tpu.memory_space<hbm>> -> memref<1x512xf32, #tpu.memory_space<hbm>>
      %dma_start3A_39 = tpu.memref_squeeze %dma_start3A_38 : memref<1x512xf32, #tpu.memory_space<hbm>> -> memref<512xf32, #tpu.memory_space<hbm>>
      tpu.enqueue_dma source(%arg7 : memref<512xf32, #tpu.memory_space<vmem>>) target(%dma_start3A_39 : memref<512xf32, #tpu.memory_space<hbm>>) target_semaphore(%run_scoped3A : memref<!tpu.dma_semaphore, #tpu.memory_space<semaphore_mem>>)
      %dma_wait3A_40 = arith.constant 0 : i32
      %dma_wait3A_41 = tpu.memref_slice %arg3[%add3A, %dma_wait3A_40] : memref<32x512xf32, #tpu.memory_space<hbm>> -> memref<1x512xf32, #tpu.memory_space<hbm>>
      %dma_wait3A_42 = tpu.memref_squeeze %dma_wait3A_41 : memref<1x512xf32, #tpu.memory_space<hbm>> -> memref<512xf32, #tpu.memory_space<hbm>>
      %dma_wait3A_43 = arith.constant 0 : i32
      %dma_wait3A_44 = tpu.memref_slice %arg3[%add3A, %dma_wait3A_43] : memref<32x512xf32, #tpu.memory_space<hbm>> -> memref<1x512xf32, #tpu.memory_space<hbm>>
      %dma_wait3A_45 = tpu.memref_squeeze %dma_wait3A_44 : memref<1x512xf32, #tpu.memory_space<hbm>> -> memref<512xf32, #tpu.memory_space<hbm>>
      tpu.wait_dma2 semaphore(%run_scoped3A : memref<!tpu.dma_semaphore, #tpu.memory_space<semaphore_mem>>) src(%arg7 : memref<512xf32, #tpu.memory_space<vmem>>) dst(%dma_wait3A_45 : memref<512xf32, #tpu.memory_space<hbm>>)
      tpu.yield
    }) : () -> ()
    return
  }
}

module attributes {stable_mosaic.version = 14 : i64} {
  func.func @_combine_body(%arg0: memref<32x512xf32, #tpu.memory_space<vmem>>, %arg1: memref<500xf32, #tpu.memory_space<vmem>>) attributes {dimension_semantics = [], scalar_prefetch = 0 : i64, scratch_operands = 0 : i64, tpu.core_type = #tpu.core_type<tc>} {
    %get3A = arith.constant 0 : index
    %get3A_0 = arith.constant 0 : index
    %get3A_1 = vector.load %arg0[%get3A, %get3A_0] : memref<32x512xf32, #tpu.memory_space<vmem>>, vector<32x512xf32>
    %reduce_sum3A = arith.constant dense<0.000000e+00> : vector<512xf32>
    %reduce_sum3A_2 = vector.multi_reduction <add>, %get3A_1, %reduce_sum3A [0] : vector<32x512xf32> to vector<512xf32>
    %slice3A = vector.extract_strided_slice %reduce_sum3A_2 {offsets = [0], sizes = [500], strides = [1]} : vector<512xf32> to vector<500xf32>
    %swap3A = arith.constant 0 : index
    %swap3A_3 = vector.load %arg1[%swap3A] : memref<500xf32, #tpu.memory_space<vmem>>, vector<500xf32>
    tpu.vector_store %arg1[%swap3A], %slice3A {strides = array<i32>} : memref<500xf32, #tpu.memory_space<vmem>>, vector<500xf32>,
    return
  }
}

</mosaic_0001>

<sc_bundles>
// kernel: kernel.4.cloned.1.call-start
scs
__scs_entry_jumppad:
0x0: {  	(pc) =	sbr.rel $0x88, $3  }
0x1: {  	(tag) =	ssettag $0x0;
	lr =	simm.s32 $0x1  }
0x2: {  	[smem:$0x3FA0] =	sst lr;
	_ =	strace $0xD0000000  }
0x3: {  	_ = 	snop  }
0x4: {  	_ = 	snop  }
0x5: {  	_ = 	snop  }
0x6: {  	_ = 	snop  }
0x7: {  	_ = 	snop  }
__scs_overlays_trampoline_lowered:
0x8: {  	[smem:$0x3FAF] =	sst s0  }
0x9: {  	[smem:$0x3FB0] =	sst s1  }
0xa: {  	[smem:$0x3FB1] =	sst s2  }
0xb: {  	[smem:$0x3FB2] =	sst s3  }
0xc: {  	[smem:$0x3FB3] =	sst s4  }
0xd: {  	[smem:$0x3FB4] =	sst s5  }
0xe: {  	[smem:$0x3FB5] =	sst s6  }
0xf: {  	[smem:$0x3FB6] =	sst s7  }
0x10: {  	[smem:$0x3FB7] =	sst s8  }
0x11: {  	[smem:$0x3FB8] =	sst s9;
	s0 =	simm.s32 @!p0 $0x0  }
0x12: {  	s1 =	sld [smem:$0x3F9E];
	s0 =	simm.s32 @p0 $0x1  }
0x13: {  	[smem:$0x3FB9] =	sst s0;
	s0 =	simm.s32 @!p1 $0x0  }
0x14: {  	s2 =	sld [smem:$0x3F9D];
	s0 =	simm.s32 @p1 $0x1  }
0x15: {  	[smem:$0x3FBA] =	sst s0;
	s0 =	simm.s32 @!p2 $0x0  }
0x16: {  	s3 =	sld [smem:$0x3FDB];
	s0 =	simm.s32 @p2 $0x1  }
0x17: {  	s4 =	simm.s32 $0x1BF5;
	[smem:$0x3FBC] =	sst s0  }
0x18: {  	s0 =	sld [smem:$0x3F9F];
	_ =	swait.ge [sflag:s4], $0x0  }
0x19: {  	s7 =	sld [smem:$0x3FA0]  }
0x1a: {  	s8 =	sadd.s32 $0xFFFFE003, lr  }
0x1b: {  	s9 =	sadd.s32 $0xFFFFFEF7, lr;
	s5 =	simm.s32 $0xFFFFFFFF;
	p2 =	slt.u32 s8, $0xFFFFF086  }
0x1c: {  	p1 =	slt.u32 s9, $0xF7A;
	s5 =	simm.s32 @!p2 $0x0  }
0x1d: {  	s5 =	simm.s32 @p1 $0x1;
	p0 =	seq.s32 s7, s2  }
0x1e: {  	s7 =	smul.u32 @!p0 $0xF7A, s2;
	p2 =	seq.s32 @!p0 s5, $0x0  }
0x1f: {  	s9 =	smul.u32 $0xF7A, s1;
	s8 =	simm.s32 @!p0 $0x1BF5;
	p2 =	por !p2, p0  }
0x20: {  	[sflag:s8] =	ssyncset.s32 @!p0 $0xFFFFF086;
	s6 =	sadd.s32 @!p0 s3, s7;
	s7 =	simm.s32 @!p0 $0x108  }
0x21: {  	s3 =	sadd.s32 s3, s9;
	s6 =	sadd.s32 @!p0 $0x88, s6;
	s7 =	simm.s32 @p2 $0x1082  }
0x22: {  	[simem:s7], [sflag:s8] =	dma.local @!p0 [hbm:s6], $0xF7A  }
0x23: {  	s9 =	sor.u32 $0xD0000000, s2;
	s6 =	simm.s32 $0x108;
	_ =	swait.ge @!p0 [sflag:s8], $0x0  }
0x24: {  	s3 =	sadd.s32 $0x88, s3;
	s6 =	simm.s32 @!p1 $0x1082;
	[sflag:s4] =	ssyncset.s32 $0xFFFFF086  }
0x25: {  	[simem:s6], [sflag:s4] =	dma.local [hbm:s3], $0xF7A  }
0x26: {  	[smem:$0x3FA0] =	sst s1;
	(tag) =	ssettag s2;
	_ =	strace s9  }
0x27: {  	s1 =	sld [smem:$0x3FB0]  }
0x28: {  	s2 =	sld [smem:$0x3FB1]  }
0x29: {  	s4 =	sld [smem:$0x3FB3]  }
0x2a: {  	p0 =	seq.s32 s5, $0x0;
	s5 =	sld [smem:$0x3FB4]  }
0x2b: {  	s6 =	sld [smem:$0x3FB5]  }
0x2c: {  	s7 =	sld [smem:$0x3FB6]  }
0x2d: {  	s3 =	simm.s32 $0x108;
	s8 =	sld [smem:$0x3FB7]  }
0x2e: {  	s3 =	simm.s32 @!p0 $0x1082;
	s9 =	sld [smem:$0x3FB8]  }
0x2f: {  	lr =	sadd.s32 s0, s3;
	s0 =	sld [smem:$0x3FAF]  }
0x30: {  	s3 =	sld [smem:$0x3FB2]  }
0x31: {  	[smem:$0x3FBB] =	sst s10  }
0x32: {  	s10 =	sld [smem:$0x3FB9];
	_ =	sdelay $0x3  }
0x33: {  	p0 =	seq.s32 s10, $0x1;
	s10 =	sld [smem:$0x3FBB];
	_ =	sdelay $0x3  }
0x34: {  	[smem:$0x3FBB] =	sst s10  }
0x35: {  	s10 =	sld [smem:$0x3FBA];
	_ =	sdelay $0x3  }
0x36: {  	p1 =	seq.s32 s10, $0x1;
	s10 =	sld [smem:$0x3FBB];
	_ =	sdelay $0x3  }
0x37: {  	[smem:$0x3FBB] =	sst s10  }
0x38: {  	s10 =	sld [smem:$0x3FBC]  }
0x39: {  	_ = 	snop;
	(pc) =	sbr.ind lr, $3  }
0x3a: {  	_ = 	snop  }
0x3b: {  	_ = 	snop  }
0x3c: {  	p2 =	seq.s32 s10, $0x1;
	s10 =	sld [smem:$0x3FBB]  }
0x3d: {  	_ =	shalt  }
0x3e: {  	_ =	shalt  }
0x3f: {  	_ =	shalt  }
0x40: {  	_ =	shalt  }
0x41: {  	_ =	shalt  }
0x42: {  	_ =	shalt  }
0x43: {  	_ =	shalt  }
0x44: {  	_ =	shalt  }
0x45: {  	_ =	shalt  }
0x46: {  	_ =	shalt  }
0x47: {  	_ =	shalt  }
0x48: {  	_ =	shalt  }
0x49: {  	_ =	shalt  }
0x4a: {  	_ =	shalt  }
0x4b: {  	_ =	shalt  }
0x4c: {  	_ =	shalt  }
0x4d: {  	_ =	shalt  }
0x4e: {  	_ =	shalt  }
0x4f: {  	_ =	shalt  }
0x50: {  	_ =	shalt  }
0x51: {  	_ =	shalt  }
0x52: {  	_ =	shalt  }
0x53: {  	_ =	shalt  }
0x54: {  	_ =	shalt  }
0x55: {  	_ =	shalt  }
0x56: {  	_ =	shalt  }
0x57: {  	_ =	shalt  }
0x58: {  	_ =	shalt  }
0x59: {  	_ =	shalt  }
0x5a: {  	_ =	shalt  }
0x5b: {  	_ =	shalt  }
0x5c: {  	_ =	shalt  }
0x5d: {  	_ =	shalt  }
0x5e: {  	_ =	shalt  }
0x5f: {  	_ =	shalt  }
0x60: {  	_ =	shalt  }
0x61: {  	_ =	shalt  }
0x62: {  	_ =	shalt  }
0x63: {  	_ =	shalt  }
0x64: {  	_ =	shalt  }
0x65: {  	_ =	shalt  }
0x66: {  	_ =	shalt  }
0x67: {  	_ =	shalt  }
0x68: {  	_ =	shalt  }
0x69: {  	_ =	shalt  }
0x6a: {  	_ =	shalt  }
0x6b: {  	_ =	shalt  }
0x6c: {  	_ =	shalt  }
0x6d: {  	_ =	shalt  }
0x6e: {  	_ =	shalt  }
0x6f: {  	_ =	shalt  }
0x70: {  	_ =	shalt  }
0x71: {  	_ =	shalt  }
0x72: {  	_ =	shalt  }
0x73: {  	_ =	shalt  }
0x74: {  	_ =	shalt  }
0x75: {  	_ =	shalt  }
0x76: {  	_ =	shalt  }
0x77: {  	_ =	shalt  }
0x78: {  	_ =	shalt  }
0x79: {  	_ =	shalt  }
0x7a: {  	_ =	shalt  }
0x7b: {  	_ =	shalt  }
0x7c: {  	_ =	shalt  }
0x7d: {  	_ =	shalt  }
0x7e: {  	_ =	shalt  }
0x7f: {  	_ =	shalt  }
0x80: {  	_ =	shalt  }
0x81: {  	_ =	shalt  }
0x82: {  	_ =	shalt  }
0x83: {  	_ =	shalt  }
0x84: {  	_ =	shalt  }
0x85: {  	_ =	shalt  }
0x86: {  	_ =	shalt  }
0x87: {  	_ =	shalt  }
.Lfunc_end0:
.L_simem_size_0:
called_computation_lowered:
.L_overlay_start_0:
0x88: {  	s2 =	sld [smem:$0x3FD9]  }
0x89: {  	s3 =	sld [smem:$0x3FFE];
	_ =	sdelay $0x1  }
0x8a: {  	s1 =	srdreg.scid  }
0x8b: {  	s0 =	sand.u32 $0x1, s1  }
0x8c: {  	s17 =	sshll.u32 s0, $0xA;
	s2 =	sadd.s32 s3, s2  }
0x8d: {  	s2 =	sadd.s32 s2, s17  }
0x8e: {  	[smem:$0x3FC7] =	sst s2  }
0x8f: {  	_ = 	snop  }
0x90: {  	s2 =	sld [smem:$0x3FC9];
	(tm) =	ssettm $0x1  }
0x91: {  	s18 =	sld [smem:$0x3FFB];
	_ =	sdelay $0x3  }
0x92: {  	_ =	strace s18  }
0x93: {  	s3 =	sld [smem:$0x3FFC];
	_ =	sdelay $0x3  }
0x94: {  	_ =	strace s3  }
0x95: {  	s3 =	sld [smem:$0x3FFD];
	_ =	sdelay $0x3  }
0x96: {  	_ =	strace s3  }
0x97: {  	_ =	strace $0x8FFFFFFF  }
0x98: {  	s19 =	sld [smem:$0x3FDB];
	_ =	sdelay $0x1  }
0x99: {  	s4 =	simm.s32 $_scs_section_size  }
0x9a: {  	s5 =	simm.s32 $_size__tile_overlayer_lowered;
	s6 =	simm.s32 $_tile_overlayer_lowered  }
0x9b: {  	s22 =	simm.s32 $0x1BFF;
	s21 =	sshll.u32 s6, $0x1;
	s3 =	sadd.s32 s4, s19  }
0x9c: {  	s7 =	simm.s32 $0x0;
	s20 =	sshll.u32 s5, $0x1;
	s5 =	sadd.s32 s21, s3  }
0x9d: {  	[timem:s7], [sflag:s22] =	dma.local [hbm:s5], s20  }
0x9e: {  	_ =	swait.ge [sflag:s22], s20  }
0x9f: {  	s4 =	ssub.s32 $0x0, s20;
	[sflag:s22] =	ssyncset.done $0x0  }
0xa0: {  	[sflag:s22] =	ssyncadd.s32 s4;
	_ =	sdelay $0x1  }
0xa1: {  	s23 =	simm.s32 $0x1B8B  }
0xa2: {  	_ =	swait.ge [sflag:s23], $0x1  }
0xa3: {  	[sflag:s23] =	ssyncset.done $0x0  }
0xa4: {  	s25 =	simm.s32 $0x1B8E;
	s24 =	sld [smem:$0x3FFE];
	[sflag:s23] =	ssyncadd.s32 $0xFFFFFFFF  }
0xa5: {  	s26 =	simm.s32 $execute0_lowered;
	[smem:$0x3FD2] =	sst s25  }
0xa6: {  	s5 =	sshll.u32 s26, $0x1;
	_ =	strace $0x80000046;
	[dreg:$0x1] =	wrdreg $0xFFFFFFFF  }
0xa7: {  	s28 =	simm.s32 $_size_execute0_lowered;
	s3 =	sadd.s32 s3, s5;
	[dreg:$0x0] =	wrdreg $0x0  }
0xa8: {  	s5 =	sshll.u32 s28, $0x1;
	[dreg:$0x2] =	wrdreg s3  }
0xa9: {  	[dreg:$0x3] =	wrdreg s5  }
0xaa: {  	[dreg:$0x4] =	wrdreg $0xC0  }
0xab: {  	_ =	task [dreg:s7], $0x5FFFF  }
0xac: {  	[dreg:$0x1] =	wrdreg $0xFFFFFFFF  }
0xad: {  	[dreg:$0x0] =	wrdreg $0x60  }
0xae: {  	[dreg:$0x2] =	wrdreg s2  }
0xaf: {  	[dreg:$0x3] =	wrdreg s24  }
0xb0: {  	[dreg:$0x4] =	wrdreg $0x9  }
0xb1: {  	_ =	task.clear_ibuf [dreg:s7], $0x5FFFF;
	_ =	strace $0x90000046  }
0xb2: {  	s29 =	simm.s32 $0x9;
	_ =	strace $0x80000048  }
0xb3: {  	_ =	swait.ge [sflag:s29], $0x1  }
0xb4: {  	[sflag:s29] =	ssyncadd.s32 $0xFFFFFFFF  }
0xb5: {  	_ =	strace $0x90000048  }
0xb6: {  	_ =	sfence  }
0xb7: {  	s30 =	sld [smem:$0x0];
	_ =	sdelay $0x2  }
0xb8: {  	s31 =	sshll.u32 s1, $0xD;
	s1 =	sshrl.u32 s1, $0x2  }
0xb9: {  	s3 =	sand.u32 $0x4000, s31;
	s1 =	sadd.s32 s1, s30  }
0xba: {  	s0 =	sor.u32 s3, s0;
	s1 =	sshll.u32 s1, $0x11  }
0xbb: {  	s0 =	sor.u32 s1, s0  }
0xbc: {  	s0 =	sadd.s32 $0x8F2B, s0  }
0xbd: {  	[sflag:s0] =	ssyncadd.remote.s32 $0x1  }
0xbe: {  	_ =	sfence.sel $0xFFFF  }
0xbf: {  	[dreg:$0x0] =	wrdreg $0xFFFFFFFF;
	(pc) =	sbr.abs _section_cstart, $3  }
0xc0: {  	[dreg:$0x1] =	wrdreg $0xFFFFFFFF  }
0xc1: {  	_ =	task.clear_ibuf [dreg:s7], $0x2FFFF;
	_ =	strace $0x9FFFFFFF  }
0xc2: {  	(tm) =	ssettm $0x7FFFFFFF  }
0xc3: {  	_ =	shalt  }
tec
execute0_lowered:
.L_overlay_start_1:
0x0: {  	(tag) =	ssettag $0x1  }
0x1: {  	s5 =	rddreg [dreg:$0x0]  }
0x2: {  	s3 =	rddreg [dreg:$0x1]  }
0x3: {  	s0 =	rddreg [dreg:$0x2];
	s1 =	stileid.u32  }
0x4: {  	s4 =	srdreg.scid;
	s2 =	simm.s32 $0x0;
	s11 =	simm.s32 $0x2  }
0x5: {  	s12 =	simm.s32 $0x80;
	s13 =	simm.s32 $0x400;
	s14 =	simm.s32 $0x3  }
0x6: {  	s15 =	simm.s32 $0x0;
	s4 =	sand.u32 $0x1, s4;
	s6 =	sshll.u32 s1, $0x1  }
0x7: {  	[smem:$0x7FF] =	sst s2;
	s7 =	sshll.u32 s1, $0x7;
	p0 =	sgt.u32 s1, $0x9  }
0x8: {  	s6 =	sor.u32 s4, s6;
	s4 =	ssub.s32 $0x2, s4;
	s7 =	sand.u32 $0x600, s7  }
0x9: {  	_ =	strace $0x80000047;
	s8 =	smul.u32 $0x30C0, s6;
	s9 =	sshrl.u32 s4, $0x1  }
0xa: {  	s10 =	smul.u32 $0x18600, s6;
	s7 =	sadd.s32 s7, s3;
	s30 =	sshll.u32 s6, $0x4  }
0xb: {  	s6 =	sshll.u32 s6, $0x5;
	s9 =	ssub.s32 s4, s9;
	s3 =	sadd.s32 s5, s8  }
0xc: {  	s29 =	sshrl.u32 s10, $0x3;
	s8 =	sand.u32 $0x70, s30;
	s10 =	simm.s32 $0x18700  }
0xd: {  	s4 =	sadd.s32 s5, s29;
	s5 =	sadd.s32 s6, s5;
	s31 =	sadd.s32 s8, s7  }
0xe: {  	s7 =	smax.u32 s9, $0x1;
	s8 =	simm.s32 $0xC300;
	s9 =	simm.s32 $0x1  }
0xf: {  	v0 =	vimm.f32 $0.0e+00;
	s4 =	sadd.s32 $0x1860, s4;
	s5 =	sadd.s32 $0x61800, s5;
	s6 =	sadd.s32 $0x600, s31  }
.LBB2_1:
0x10: {  	[tilespmem:$0x18700] =	vst v0  }
0x11: {  	[tilespmem:$0x18710] =	vst v0  }
0x12: {  	[tilespmem:$0x18720] =	vst v0  }
0x13: {  	[tilespmem:$0x18730] =	vst v0  }
0x14: {  	[tilespmem:$0x18740] =	vst v0  }
0x15: {  	[tilespmem:$0x18750] =	vst v0  }
0x16: {  	[tilespmem:$0x18760] =	vst v0  }
0x17: {  	[tilespmem:$0x18770] =	vst v0  }
0x18: {  	[tilespmem:$0x18780] =	vst v0  }
0x19: {  	[tilespmem:$0x18790] =	vst v0  }
0x1a: {  	[tilespmem:$0x187A0] =	vst v0  }
0x1b: {  	[tilespmem:$0x187B0] =	vst v0  }
0x1c: {  	[tilespmem:$0x187C0] =	vst v0  }
0x1d: {  	[tilespmem:$0x187D0] =	vst v0  }
0x1e: {  	[tilespmem:$0x187E0] =	vst v0  }
0x1f: {  	[tilespmem:$0x187F0] =	vst v0  }
0x20: {  	[tilespmem:$0x18800] =	vst v0  }
0x21: {  	[tilespmem:$0x18810] =	vst v0  }
0x22: {  	[tilespmem:$0x18820] =	vst v0  }
0x23: {  	[tilespmem:$0x18830] =	vst v0  }
0x24: {  	[tilespmem:$0x18840] =	vst v0  }
0x25: {  	[tilespmem:$0x18850] =	vst v0  }
0x26: {  	[tilespmem:$0x18860] =	vst v0  }
0x27: {  	[tilespmem:$0x18870] =	vst v0  }
0x28: {  	[tilespmem:$0x18880] =	vst v0  }
0x29: {  	[tilespmem:$0x18890] =	vst v0  }
0x2a: {  	[tilespmem:$0x188A0] =	vst v0  }
0x2b: {  	[tilespmem:$0x188B0] =	vst v0  }
0x2c: {  	[tilespmem:$0x188C0] =	vst v0  }
0x2d: {  	[tilespmem:$0x188D0] =	vst v0  }
0x2e: {  	[tilespmem:$0x188E0] =	vst v0  }
0x2f: {  	[tilespmem:$0x188F0] =	vst v0  }
0x30: {  	[tilespmem:s2], [sflag:$0x1] =	stream.linear.gather [hbm4b:s3+s2], $0xC300, $0x38;
	[tilespmem:$0x18900] =	vst v63  }
0x31: {  	_ = 	snop  }
0x32: {  	[tilespmem:s8], [sflag:$0x2] =	stream.linear.gather [hbm4b:s4+s2], $0xC300, $0x38;
	[tilespmem:$0x18900] =	vst v63  }
0x33: {  	_ =	swait.ge [sflag:s9], $0xC300  }
0x34: {  	[sflag:s9] =	ssyncset.done $0x0  }
0x35: {  	s16 =	simm.s32 $0x40;
	[sflag:s9] =	ssyncadd.s32 $0xFFFF3D00  }
0x36: {  	v1 =	vld [tilespmem:s16+$0x30]  }
0x37: {  	v2 =	vld [tilespmem:s16+$0xFFFFFFD0]  }
0x38: {  	v3 =	vld [tilespmem:s16+$0xFFFFFFE0]  }
0x39: {  	v4 =	vld [tilespmem:s16+$0xFFFFFFF0];
	_ =	sdelay $0x1  }
0x3a: {  	v5 =	vld [tilespmem:s16+$0x0];
	v1 =	vmul.u32 $0x147AF, v1  }
0x3b: {  	v6 =	vld [tilespmem:s16+$0x10];
	v2 =	vmul.u32 $0x147AF, v2  }
0x3c: {  	v7 =	vld [tilespmem:s16+$0x20];
	v3 =	vmul.u32 $0x147AF, v3;
	v1 =	vshrl.u32 v1, $0x17  }
0x3d: {  	v8 =	vld [tilespmem:s16+$0xFFFFFFC0];
	v4 =	vmul.u32 $0x147AF, v4;
	v2 =	vshrl.u32 v2, $0x17  }
0x3e: {  	v3 =	vshrl.u32 v3, $0x17  }
0x3f: {  	v9 =	vshrl.u32 v4, $0x17;
	_ =	sdelay $0x1  }
0x40: {  	v4 =	vmul.u32 $0x147AF, v5;
	[tilespmem:v1+s10+$0x0] =	vst.idx.add.f32.msk $0xffff, v0  }
0x41: {  	v5 =	vmul.u32 $0x147AF, v6;
	v6 =	vmul.u32 $0x147AF, v7;
	v7 =	vmul.u32 $0x147AF, v8;
	[tilespmem:v2+s10+$0x0] =	vst.idx.add.f32.msk $0xffff, v0  }
0x42: {  	v1 =	vshrl.u32 v4, $0x17;
	[tilespmem:v3+s10+$0x0] =	vst.idx.add.f32.msk $0xffff, v0  }
0x43: {  	s17 =	simm.s32 $0x140;
	s16 =	simm.s32 $0x0;
	v2 =	vshrl.u32 v5, $0x17;
	v3 =	vshrl.u32 v6, $0x17;
	v4 =	vshrl.u32 v7, $0x17;
	[tilespmem:v9+s10+$0x0] =	vst.idx.add.f32.msk $0xffff, v0  }
.LBB2_2:
0x44: {  	v5 =	vld [tilespmem:s17+$0x30];
	s16 =	sadd.s32 $0x8, s16  }
0x45: {  	v6 =	vld [tilespmem:s17+$0xFFFFFFD0];
	p1 =	slt.u32 s16, $0x610  }
0x46: {  	v7 =	vld [tilespmem:s17+$0xFFFFFFE0]  }
0x47: {  	v8 =	vld [tilespmem:s17+$0xFFFFFFF0]  }
0x48: {  	v9 =	vld [tilespmem:s17+$0x0]  }
0x49: {  	v10 =	vld [tilespmem:s17+$0x10];
	v5 =	vmul.u32 $0x147AF, v5  }
0x4a: {  	v6 =	vmul.u32 $0x147AF, v6;
	v11 =	vld [tilespmem:s17+$0x20]  }
0x4b: {  	v12 =	vld [tilespmem:s17+$0xFFFFFFC0];
	v7 =	vmul.u32 $0x147AF, v7;
	v5 =	vshrl.u32 v5, $0x17  }
0x4c: {  	v6 =	vshrl.u32 v6, $0x17;
	v8 =	vmul.u32 $0x147AF, v8;
	[tilespmem:v4+s10+$0x0] =	vst.idx.add.f32.msk $0xffff, v0  }
0x4d: {  	v7 =	vshrl.u32 v7, $0x17;
	v4 =	vmul.u32 $0x147AF, v9;
	[tilespmem:v1+s10+$0x0] =	vst.idx.add.f32.msk $0xffff, v0  }
0x4e: {  	v8 =	vshrl.u32 v8, $0x17;
	v9 =	vmul.u32 $0x147AF, v10;
	[tilespmem:v2+s10+$0x0] =	vst.idx.add.f32.msk $0xffff, v0  }
.Ltmp0:
0x4f: {  	v1 =	vshrl.u32 v4, $0x17;
	v4 =	vmul.u32 $0x147AF, v11;
	[tilespmem:v3+s10+$0x0] =	vst.idx.add.f32.msk $0xffff, v0;
	(pc) =	sbr.rel @p1 .LBB2_2-.Ltmp0, $4  }
0x50: {  	v10 =	vmul.u32 $0x147AF, v12;
	v2 =	vshrl.u32 v9, $0x17;
	[tilespmem:v5+s10+$0x0] =	vst.idx.add.f32.msk $0xffff, v0  }
0x51: {  	[tilespmem:v6+s10+$0x0] =	vst.idx.add.f32.msk $0xffff, v0;
	v3 =	vshrl.u32 v4, $0x17  }
0x52: {  	v4 =	vshrl.u32 v10, $0x17;
	[tilespmem:v7+s10+$0x0] =	vst.idx.add.f32.msk $0xffff, v0  }
0x53: {  	s17 =	sadd.s32 $0x100, s17;
	[tilespmem:v8+s10+$0x0] =	vst.idx.add.f32.msk $0xffff, v0  }
0x54: {  	_ =	sdelay $0x3  }
0x55: {  	[tilespmem:v4+s10+$0x0] =	vst.idx.add.f32.msk $0xffff, v0  }
0x56: {  	[tilespmem:v1+s10+$0x0] =	vst.idx.add.f32.msk $0xffff, v0  }
0x57: {  	[tilespmem:v2+s10+$0x0] =	vst.idx.add.f32.msk $0xffff, v0  }
0x58: {  	[tilespmem:v3+s10+$0x0] =	vst.idx.add.f32.msk $0xffff, v0  }
0x59: {  	_ =	swait.ge [sflag:s11], $0xC300  }
0x5a: {  	[sflag:s11] =	ssyncset.done $0x0  }
0x5b: {  	s16 =	simm.s32 $0xC340;
	[sflag:s11] =	ssyncadd.s32 $0xFFFF3D00  }
0x5c: {  	v1 =	vld [tilespmem:s16+$0x30]  }
0x5d: {  	v2 =	vld [tilespmem:s16+$0xFFFFFFD0]  }
0x5e: {  	v3 =	vld [tilespmem:s16+$0xFFFFFFE0]  }
0x5f: {  	v4 =	vld [tilespmem:s16+$0xFFFFFFF0];
	_ =	sdelay $0x1  }
0x60: {  	v5 =	vld [tilespmem:s16+$0x0];
	v1 =	vmul.u32 $0x147AF, v1  }
0x61: {  	v6 =	vld [tilespmem:s16+$0x10];
	v2 =	vmul.u32 $0x147AF, v2  }
0x62: {  	v7 =	vld [tilespmem:s16+$0x20];
	v3 =	vmul.u32 $0x147AF, v3;
	v1 =	vshrl.u32 v1, $0x17  }
0x63: {  	v8 =	vld [tilespmem:s16+$0xFFFFFFC0];
	v4 =	vmul.u32 $0x147AF, v4;
	v2 =	vshrl.u32 v2, $0x17  }
0x64: {  	v3 =	vshrl.u32 v3, $0x17  }
0x65: {  	v9 =	vshrl.u32 v4, $0x17;
	_ =	sdelay $0x1  }
0x66: {  	v4 =	vmul.u32 $0x147AF, v5;
	[tilespmem:v1+s10+$0x0] =	vst.idx.add.f32.msk $0xffff, v0  }
0x67: {  	v5 =	vmul.u32 $0x147AF, v6;
	v6 =	vmul.u32 $0x147AF, v7;
	v7 =	vmul.u32 $0x147AF, v8;
	[tilespmem:v2+s10+$0x0] =	vst.idx.add.f32.msk $0xffff, v0  }
0x68: {  	v1 =	vshrl.u32 v4, $0x17;
	[tilespmem:v3+s10+$0x0] =	vst.idx.add.f32.msk $0xffff, v0  }
0x69: {  	s17 =	simm.s32 $0xC440;
	s16 =	simm.s32 $0x0;
	v2 =	vshrl.u32 v5, $0x17;
	v3 =	vshrl.u32 v6, $0x17;
	v4 =	vshrl.u32 v7, $0x17;
	[tilespmem:v9+s10+$0x0] =	vst.idx.add.f32.msk $0xffff, v0  }
.LBB2_4:
0x6a: {  	v5 =	vld [tilespmem:s17+$0x30];
	s16 =	sadd.s32 $0x8, s16  }
0x6b: {  	v6 =	vld [tilespmem:s17+$0xFFFFFFD0];
	p1 =	slt.u32 s16, $0x610  }
0x6c: {  	v7 =	vld [tilespmem:s17+$0xFFFFFFE0]  }
0x6d: {  	v8 =	vld [tilespmem:s17+$0xFFFFFFF0]  }
0x6e: {  	v9 =	vld [tilespmem:s17+$0x0]  }
0x6f: {  	v10 =	vld [tilespmem:s17+$0x10];
	v5 =	vmul.u32 $0x147AF, v5  }
0x70: {  	v6 =	vmul.u32 $0x147AF, v6;
	v11 =	vld [tilespmem:s17+$0x20]  }
0x71: {  	v12 =	vld [tilespmem:s17+$0xFFFFFFC0];
	v7 =	vmul.u32 $0x147AF, v7;
	v5 =	vshrl.u32 v5, $0x17  }
0x72: {  	v6 =	vshrl.u32 v6, $0x17;
	v8 =	vmul.u32 $0x147AF, v8;
	[tilespmem:v4+s10+$0x0] =	vst.idx.add.f32.msk $0xffff, v0  }
0x73: {  	v7 =	vshrl.u32 v7, $0x17;
	v4 =	vmul.u32 $0x147AF, v9;
	[tilespmem:v1+s10+$0x0] =	vst.idx.add.f32.msk $0xffff, v0  }
0x74: {  	v8 =	vshrl.u32 v8, $0x17;
	v9 =	vmul.u32 $0x147AF, v10;
	[tilespmem:v2+s10+$0x0] =	vst.idx.add.f32.msk $0xffff, v0  }
.Ltmp1:
0x75: {  	v1 =	vshrl.u32 v4, $0x17;
	v4 =	vmul.u32 $0x147AF, v11;
	[tilespmem:v3+s10+$0x0] =	vst.idx.add.f32.msk $0xffff, v0;
	(pc) =	sbr.rel @p1 .LBB2_4-.Ltmp1, $4  }
0x76: {  	v10 =	vmul.u32 $0x147AF, v12;
	v2 =	vshrl.u32 v9, $0x17;
	[tilespmem:v5+s10+$0x0] =	vst.idx.add.f32.msk $0xffff, v0  }
0x77: {  	[tilespmem:v6+s10+$0x0] =	vst.idx.add.f32.msk $0xffff, v0;
	v3 =	vshrl.u32 v4, $0x17  }
0x78: {  	v4 =	vshrl.u32 v10, $0x17;
	[tilespmem:v7+s10+$0x0] =	vst.idx.add.f32.msk $0xffff, v0  }
0x79: {  	s17 =	sadd.s32 $0x100, s17;
	[tilespmem:v8+s10+$0x0] =	vst.idx.add.f32.msk $0xffff, v0  }
0x7a: {  	_ =	sdelay $0x3  }
0x7b: {  	[tilespmem:v4+s10+$0x0] =	vst.idx.add.f32.msk $0xffff, v0  }
0x7c: {  	[tilespmem:v1+s10+$0x0] =	vst.idx.add.f32.msk $0xffff, v0  }
0x7d: {  	[tilespmem:v2+s10+$0x0] =	vst.idx.add.f32.msk $0xffff, v0  }
0x7e: {  	[tilespmem:v3+s10+$0x0] =	vst.idx.add.f32.msk $0xffff, v0;
	s16 =	simm.s32 @!p0 $0x0;
	s17 =	simm.s32 @!p0 $0x18600  }
0x7f: {  	[tilespmem:s17], [sflag:$0x3] =	stream.linear.gather @!p0 [hbm4b:s5+s16], $0x100, $0x38;
	[tilespmem:$0x18900] =	vst v63  }
0x80: {  	s16 =	simm.s32 @!p0 $0x3  }
0x81: {  	_ =	swait.ge @!p0 [sflag:s16], $0x100  }
0x82: {  	[sflag:s16] =	ssyncset.done @!p0 $0x0  }
0x83: {  	[sflag:s16] =	ssyncadd.s32 @!p0 $0xFFFFFF00  }
0x84: {  	v1 =	vld @!p0 [tilespmem:$0x18600]  }
0x85: {  	v2 =	vld @!p0 [tilespmem:$0x18610]  }
0x86: {  	v3 =	vld @!p0 [tilespmem:$0x18620]  }
0x87: {  	v4 =	vld @!p0 [tilespmem:$0x18630]  }
0x88: {  	v5 =	vld @!p0 [tilespmem:$0x18640]  }
0x89: {  	v6 =	vld @!p0 [tilespmem:$0x18650];
	v1 =	vmul.u32 @!p0 $0x147AF, v1  }
0x8a: {  	v7 =	vld @!p0 [tilespmem:$0x18660];
	v2 =	vmul.u32 @!p0 $0x147AF, v2  }
0x8b: {  	v8 =	vld @!p0 [tilespmem:$0x18670];
	v3 =	vmul.u32 @!p0 $0x147AF, v3;
	v1 =	vshrl.u32 @!p0 v1, $0x17  }
0x8c: {  	v4 =	vmul.u32 @!p0 $0x147AF, v4;
	v2 =	vshrl.u32 @!p0 v2, $0x17  }
0x8d: {  	v5 =	vmul.u32 @!p0 $0x147AF, v5;
	v3 =	vshrl.u32 @!p0 v3, $0x17  }
0x8e: {  	v6 =	vmul.u32 @!p0 $0x147AF, v6;
	v4 =	vshrl.u32 @!p0 v4, $0x17  }
0x8f: {  	v9 =	vimm.f32 @!p0 $0.0e+00;
	s16 =	simm.s32 @!p0 $0x18700;
	v7 =	vmul.u32 @!p0 $0x147AF, v7;
	v5 =	vshrl.u32 @!p0 v5, $0x17  }
0x90: {  	[tilespmem:v1+s16+$0x0] =	vst.idx.add.f32.msk @!p0 $0xffff, v9;
	v1 =	vshrl.u32 @!p0 v6, $0x17;
	v6 =	vmul.u32 @!p0 $0x147AF, v8  }
0x91: {  	[tilespmem:v2+s16+$0x0] =	vst.idx.add.f32.msk @!p0 $0xffff, v9;
	v2 =	vshrl.u32 @!p0 v7, $0x17  }
0x92: {  	[tilespmem:v3+s16+$0x0] =	vst.idx.add.f32.msk @!p0 $0xffff, v9;
	v3 =	vshrl.u32 @!p0 v6, $0x17  }
0x93: {  	[tilespmem:v4+s16+$0x0] =	vst.idx.add.f32.msk @!p0 $0xffff, v9  }
0x94: {  	[tilespmem:v5+s16+$0x0] =	vst.idx.add.f32.msk @!p0 $0xffff, v9  }
0x95: {  	s15 =	sadd.s32 $0x1, s15;
	[tilespmem:v1+s16+$0x0] =	vst.idx.add.f32.msk @!p0 $0xffff, v9  }
0x96: {  	p1 =	sne.s32 s15, s7;
	[tilespmem:v2+s16+$0x0] =	vst.idx.add.f32.msk @!p0 $0xffff, v9  }
.Ltmp2:
0x97: {  	[tilespmem:v3+s16+$0x0] =	vst.idx.add.f32.msk @!p0 $0xffff, v9;
	(pc) =	sbr.rel @p1 .LBB2_1-.Ltmp2, $4  }
0x98: {  	[hbm4b:s6+s12] =	stream.strided.scatter [tilespmem:s10], [sflag:$0x3], $0x200, s13, s12, $0x38;
	[tilespmem:$0x18900] =	vst v63  }
0x99: {  	_ =	swait.ge [sflag:s14], $0x200  }
0x9a: {  	[sflag:s14] =	ssyncset.done $0x0  }
0x9b: {  	[sflag:s14] =	ssyncadd.s32 $0xFFFFFE00  }
0x9c: {  	_ =	sfence.sel $0x180000  }
0x9d: {  	[bflag:$0x0] =	sbarrier.arrive $0xFFFF  }
0x9e: {  	p0 =	sne.s32 s1, $0x0;
	_ =	strace $0x90000047  }
0x9f: {  	s0 =	sadd.s32 @!p0 $0x100000, s0;
	[bflag:$0x2] =	sbarrier.arrive $0xFFFF  }
0xa0: {  	[sflag:s0] =	ssyncadd.tile.s32 @!p0 $0x1;
	_ =	shalt  }
.Lfunc_end2:
_tile_overlayer_lowered:
.L_overlay_start_2:
0xa1: {  	(tag) =	ssettag $0x2  }
0xa2: {  	s0 =	rddreg [dreg:$0x0];
	s2 =	stileid.u32  }
0xa3: {  	s1 =	rddreg [dreg:$0x1];
	p0 =	sne.s32 s2, $0x0  }
0xa4: {  	s3 =	rddreg [dreg:$0x2];
	[bflag:$0x3] =	sbarrier.arrive $0xFFFF;
	s2 =	simm.s32 @!p0 $0x1C03  }
0xa5: {  	[timem:s3], [sflag:s2] =	dma.local @!p0 [hbm:s0], s1  }
0xa6: {  	s0 =	simm.s32 @!p0 $0x3  }
0xa7: {  	_ =	swait.ge @!p0 [sflag:s0], s1  }
0xa8: {  	s1 =	ssub.s32 @!p0 $0x0, s1;
	[sflag:s0] =	ssyncset.done @!p0 $0x0  }
0xa9: {  	[sflag:s0] =	ssyncadd.s32 @!p0 s1  }
0xaa: {  	[bflag:$0x3] =	sbarrier.arrive $0xFFFF  }
0xab: {  	_ =	shalt  }

</sc_bundles>
